<compile_context>
chip_gen: v7x
topology: tpu7x:2x2x1
jax: 0.10.2.dev20260603
libtpu: 0.0.44.dev20260713+nightly
codegen_flags: <defaults>
</compile_context>

<pallas_src>
import functools

import jax
import jax.numpy as jnp
from jax import lax
from jax.experimental import pallas as pl
from jax.experimental.pallas import tpu as pltpu
from jax.experimental.pallas import tpu_sc as plsc

DIM = 64
DPAD = 128
NROW = 1000000
B = 1024
L = 50
LP = 56
ALPHA = 0.2
NEG = -1e9

NC = 2
NS = 16
NW = NC * NS
NIDX = 2 * B * LP
BPW = NIDX // NW
CH = 896
HALF = B * LP

CT = 8192


def _build_body(x_ref, pt_ref, tab_ref, emb_ref):
    i = pl.program_id(0)
    x = x_ref[...]
    eyep = (lax.broadcasted_iota(jnp.int32, (DIM, DPAD), 0)
            == lax.broadcasted_iota(jnp.int32, (DIM, DPAD), 1)
            ).astype(jnp.float32)
    tab_ref[...] = lax.dot_general(x, eyep, (((0,), (0,)), ((), ())),
                                   preferred_element_type=jnp.float32)
    pt = pt_ref[...]
    first = jnp.where(i == 0, 0.0, 1.0) * pt[:, DPAD - 1:DPAD]
    emb_ref[...] = jnp.concatenate([first, x[:, :CT - 1]], axis=1)


def _build(embT):
    return pl.pallas_call(
        _build_body,
        grid=(pl.cdiv(NROW + 1, CT),),
        in_specs=[
            pl.BlockSpec((DIM, CT), lambda i: (0, i)),
            pl.BlockSpec((DIM, DPAD),
                         lambda i: (0, jnp.maximum(i * (CT // DPAD) - 1, 0))),
        ],
        out_specs=[
            pl.BlockSpec((CT, DPAD), lambda i: (i, 0)),
            pl.BlockSpec((DIM, CT), lambda i: (0, i)),
        ],
        out_shape=(
            jax.ShapeDtypeStruct((NROW, DPAD), jnp.float32),
            jax.ShapeDtypeStruct((DIM, NROW + 1), jnp.float32),
        ),
    )(embT, embT)


def _gather_body(table, idx, out_h, out_i, idx_v, rows_v, sem):
    wid = lax.axis_index("s") * NC + lax.axis_index("c")
    base = wid * BPW
    pltpu.sync_copy(idx.at[pl.ds(base, BPW)], idx_v)
    for c in range(BPW // CH):
        pltpu.async_copy(table.at[idx_v.at[pl.ds(c * CH, CH)]], rows_v, sem).wait()
        off = base + c * CH

        @pl.when(wid < NW // 2)
        def _():
            pltpu.sync_copy(rows_v, out_h.at[pl.ds(off, CH)])

        @pl.when(wid >= NW // 2)
        def _():
            pltpu.sync_copy(rows_v, out_i.at[pl.ds(off - HALF, CH)])


@functools.cache
def _sc_gather():
    return pl.kernel(
        _gather_body,
        out_type=(
            jax.ShapeDtypeStruct((HALF, DPAD), jnp.float32),
            jax.ShapeDtypeStruct((HALF, DPAD), jnp.float32),
        ),
        mesh=plsc.VectorSubcoreMesh(
            core_axis_name="c", subcore_axis_name="s",
            num_cores=NC, num_subcores=NS,
        ),
        scratch_types=[
            pltpu.VMEM((BPW,), jnp.int32),
            pltpu.VMEM((CH, DPAD), jnp.float32),
            pltpu.SemaphoreType.DMA,
        ],
        compiler_params=pltpu.CompilerParams(use_tc_tiling_on_sc=False),
    )


BB = 64


def _attn_body(h_ref, it_ref, ii_ref, ti_ref, hs_ref, mf_ref, a1_ref, a2_ref,
               out_ref):
    hst = hs_ref[...]
    mf = mf_ref[...][:, :L]
    a1 = a1_ref[...][0:1, :].reshape(1, 1, DPAD)
    a2 = a2_ref[...][0:1, :].reshape(1, 1, DPAD)

    h = h_ref[...][:, :L, :]
    h = h * (ii_ref[...][:, :L] != 0).astype(jnp.float32)[:, :, None]
    itm = it_ref[...][:, :L, :]
    itm = itm * ((ti_ref[...][:, :L] != 0).astype(jnp.float32) * mf)[:, :, None]
    sess = jnp.sum(itm, axis=1) / jnp.sum(mf, axis=1)[:, None]

    att_n = jnp.sum(h * a1, axis=-1)
    att_n = jnp.where(att_n >= 0, att_n, ALPHA * att_n)
    w = jnp.where(hst > 0, hst * att_n[:, None, :], NEG)
    w = w - jnp.max(w, axis=2, keepdims=True)
    w = jnp.exp(w)
    w = w / jnp.sum(w, axis=2, keepdims=True)
    edge = lax.dot_general(w, h, (((2,), (1,)), ((0,), (0,))),
                           preferred_element_type=jnp.float32)

    att_e = jnp.sum(edge * a2, axis=-1)
    att_e = jnp.where(att_e >= 0, att_e, ALPHA * att_e)
    w2 = jnp.where(hst > 0, hst * att_e[:, :, None], NEG)
    w2 = w2 - jnp.max(w2, axis=1, keepdims=True)
    w2 = jnp.exp(w2)
    w2 = w2 / jnp.sum(w2, axis=1, keepdims=True)
    out = lax.dot_general(w2, edge, (((1,), (1,)), ((0,), (0,))),
                          preferred_element_type=jnp.float32)
    out = out + sess[:, None, :]
    out_ref[...] = out[:, :, :DIM]


def _attention(h, itm, ii, ti, Hs, maskf, a1b, a2b):
    grid = (B // BB,)
    return pl.pallas_call(
        _attn_body,
        grid=grid,
        in_specs=[
            pl.BlockSpec((BB, LP, DPAD), lambda i: (i, 0, 0)),
            pl.BlockSpec((BB, LP, DPAD), lambda i: (i, 0, 0)),
            pl.BlockSpec((BB, LP), lambda i: (i, 0)),
            pl.BlockSpec((BB, LP), lambda i: (i, 0)),
            pl.BlockSpec((BB, L, L), lambda i: (i, 0, 0)),
            pl.BlockSpec((BB, LP), lambda i: (i, 0)),
            pl.BlockSpec((8, DPAD), lambda i: (0, 0)),
            pl.BlockSpec((8, DPAD), lambda i: (0, 0)),
        ],
        out_specs=pl.BlockSpec((BB, L, DIM), lambda i: (i, 0, 0)),
        out_shape=jax.ShapeDtypeStruct((B, L, DIM), jnp.float32),
    )(h, itm, ii, ti, Hs, maskf, a1b, a2b)


def kernel(inputs, Hs, mask_item, item, embedding, a1, a2):
    inputs = inputs.astype(jnp.int32)
    item = item.astype(jnp.int32)
    fb = (lax.broadcasted_iota(jnp.int32, (B, LP - L), 0) * 131
          + lax.broadcasted_iota(jnp.int32, (B, LP - L), 1) * 17) % NROW
    ii56 = jnp.concatenate([inputs, fb], axis=1)
    ti56 = jnp.concatenate([item, (fb + 7) % NROW], axis=1)
    idx = jnp.concatenate([ii56.reshape(-1), ti56.reshape(-1)])
    safe = jnp.maximum(idx - 1, 0)

    table, embp_t = _build(embedding.T)
    h_rows, item_rows = _sc_gather()(table, safe)
    h3 = h_rows.reshape(B, LP, DPAD)
    it3 = item_rows.reshape(B, LP, DPAD)

    mf56 = jnp.pad(mask_item.astype(jnp.float32), ((0, 0), (0, LP - L)))
    a1b = jnp.pad(a1.reshape(1, DIM), ((0, 7), (0, DPAD - DIM)))
    a2b = jnp.pad(a2.reshape(1, DIM), ((0, 7), (0, DPAD - DIM)))
    h_local = _attention(h3, it3, ii56, ti56, jnp.swapaxes(Hs, 1, 2),
                         mf56, a1b, a2b)

    item_embeddings = embp_t.T
    return (h_local, item_embeddings)

# --- scband reference (transcript-rebuilt; emitter-appended) ---
"""Pipeline reference for scband-hide-40664750359023 (READ-ONLY COPY).

The authoritative reference and input builder live on the scoring server;
editing this copy changes nothing except your own understanding.
"""

import jax, jax.numpy as jnp
import numpy as np

NUM_NODE = 1000000
DIM = 64
B = 1024
L = 50
LAYER = 1
ALPHA = 0.2


def setup_inputs(seed: int = 0) -> dict:
    key = jax.random.key(seed)
    ks = jax.random.split(key, 6)
    stdv = 1.0 / np.sqrt(DIM)
    inputs = jax.random.randint(ks[0], (B, L), 0, NUM_NODE)
    Hs = jax.random.uniform(ks[1], (B, L, L), dtype=jnp.float32)
    mask_item = jnp.ones((B, L), dtype=jnp.int32)
    item = jax.random.randint(ks[2], (B, L), 0, NUM_NODE)
    embedding = jax.random.uniform(ks[3], (NUM_NODE, DIM), minval=-stdv, maxval=stdv, dtype=jnp.float32)
    a1 = jax.random.uniform(ks[4], (DIM,), minval=-stdv, maxval=stdv, dtype=jnp.float32)
    a2 = jax.random.uniform(ks[5], (DIM,), minval=-stdv, maxval=stdv, dtype=jnp.float32)
    return {"inputs": inputs, "Hs": Hs, "mask_item": mask_item, "item": item,
            "embedding": embedding, "a1": a1, "a2": a2}


def _local_agg(h, Hs, s_c, a1, a2):
    # LocalHyperGATlayer (not defined in the provided snippet): plausible
    # hypergraph attention -- node->hyperedge softmax aggregation, then
    # hyperedge->node softmax aggregation, plus session-context residual.
    h_emb = h
    for _ in range(LAYER):
        att_n = jax.nn.leaky_relu(jnp.einsum('bld,d->bl', h_emb, a1), ALPHA)
        w = jnp.where(Hs > 0, Hs * att_n[:, :, None], -1e9)
        w = jax.nn.softmax(w, axis=1)
        edge = jnp.einsum('ble,bld->bed', w, h_emb)
        att_e = jax.nn.leaky_relu(jnp.einsum('bed,d->be', edge, a2), ALPHA)
        w2 = jnp.where(Hs > 0, Hs * att_e[:, None, :], -1e9)
        w2 = jax.nn.softmax(w2, axis=2)
        h_emb = jnp.einsum('ble,bed->bld', w2, edge) + s_c
    return h_emb


def reference(inputs, Hs, mask_item, item, embedding, a1, a2):
    # HIDE.forward with disen=False, g=False
    item_embeddings = jnp.concatenate([jnp.zeros((1, DIM), dtype=embedding.dtype), embedding], axis=0)
    h = jnp.take(item_embeddings, inputs, axis=0)
    maskf = mask_item.astype(jnp.float32)
    item_emb = jnp.take(item_embeddings, item, axis=0) * maskf[:, :, None]
    session_c = jnp.sum(item_emb, axis=1) / jnp.sum(maskf, axis=-1)[:, None]
    session_c = session_c[:, None, :]
    h_local = _local_agg(h, Hs, session_c, a1, a2)
    return (h_local, item_embeddings)

if __name__ == "__main__":
    import jax
    _d = setup_inputs()
    print(jax.jit(kernel)(*tuple(_d.values())))

</pallas_src>

<mosaic_0001>
#map = affine_map<(d0, d1) -> (0, 0)>
#map1 = affine_map<(d0, d1) -> (0)>
module attributes {stable_mosaic.version = 14 : i64} {
  func.func @_gather_body(%arg0: i32, %arg1: i32, %arg2: memref<1000000x128xf32, #tpu.memory_space<hbm>>, %arg3: memref<114688xi32, #tpu.memory_space<hbm>>, %arg4: memref<57344x128xf32, #tpu.memory_space<hbm>>, %arg5: memref<57344x128xf32, #tpu.memory_space<hbm>>, %arg6: memref<3584xi32, #tpu.memory_space<vmem>>, %arg7: memref<896x128xf32, #tpu.memory_space<vmem>>, %arg8: memref<!tpu.dma_semaphore, #tpu.memory_space<semaphore_mem>>) attributes {dimension_semantics = [#tpu.dimension_semantics<core_parallel>, #tpu.dimension_semantics<subcore_parallel>], iteration_bounds = array<i64: 2, 16>, scalar_prefetch = 0 : i64, scratch_operands = 3 : i64, tpu.core_type = #tpu.core_type<sc_vector_subcore>, window_params = [{transform_indices = #map}, {transform_indices = #map1}, {transform_indices = #map}, {transform_indices = #map}]} {
    %mul3A = arith.constant 2 : i32
    %mul3A_0 = arith.muli %arg1, %mul3A : i32
    %add3A = arith.addi %mul3A_0, %arg0 : i32
    %mul3A_1 = arith.constant 3584 : i32
    %mul3A_2 = arith.muli %add3A, %mul3A_1 : i32
    "tpu.region"() ({
      %run_scoped3A = tpu.sem_alloc : memref<!tpu.dma_semaphore, #tpu.memory_space<semaphore_mem>>
      %dma_start3A_85 = tpu.memref_slice %arg3[%mul3A_2] : memref<114688xi32, #tpu.memory_space<hbm>> -> memref<3584xi32, #tpu.memory_space<hbm>>
      %dma_start3A_86 = tpu.memref_slice %arg3[%mul3A_2] : memref<114688xi32, #tpu.memory_space<hbm>> -> memref<3584xi32, #tpu.memory_space<hbm>>
      tpu.enqueue_dma source(%dma_start3A_86 : memref<3584xi32, #tpu.memory_space<hbm>>) target(%arg6 : memref<3584xi32, #tpu.memory_space<vmem>>) target_semaphore(%run_scoped3A : memref<!tpu.dma_semaphore, #tpu.memory_space<semaphore_mem>>)
      %dma_wait3A_87 = tpu.memref_slice %arg3[%mul3A_2] : memref<114688xi32, #tpu.memory_space<hbm>> -> memref<3584xi32, #tpu.memory_space<hbm>>
      %dma_wait3A_88 = tpu.memref_slice %arg3[%mul3A_2] : memref<114688xi32, #tpu.memory_space<hbm>> -> memref<3584xi32, #tpu.memory_space<hbm>>
      tpu.wait_dma2 semaphore(%run_scoped3A : memref<!tpu.dma_semaphore, #tpu.memory_space<semaphore_mem>>) src(%dma_wait3A_88 : memref<3584xi32, #tpu.memory_space<hbm>>) dst(%arg6 : memref<3584xi32, #tpu.memory_space<vmem>>)
      tpu.yield
    }) : () -> ()
    %dma_start3A = arith.constant 0 : i32
    %dma_start3A_3 = tpu.memref_slice %arg6[%dma_start3A] : memref<3584xi32, #tpu.memory_space<vmem>> -> memref<896xi32, #tpu.memory_space<vmem>>
    %dma_start3A_4 = arith.constant 0 : i32
    %dma_start3A_5 = arith.constant 0 : i32
    %dma_start3A_6 = tpu.memref_slice %arg2[%dma_start3A_4, %dma_start3A_5] : memref<1000000x128xf32, #tpu.memory_space<hbm>> -> memref<1000000x128xf32, #tpu.memory_space<hbm>>
    tpu.enqueue_indirect_dma source(%dma_start3A_6 : memref<1000000x128xf32, #tpu.memory_space<hbm>>) target(%arg7 : memref<896x128xf32, #tpu.memory_space<vmem>>) offsets(%dma_start3A_3 : memref<896xi32, #tpu.memory_space<vmem>>) semaphore(%arg8 : memref<!tpu.dma_semaphore, #tpu.memory_space<semaphore_mem>>)
    %dma_wait3A = arith.constant 0 : i32
    %dma_wait3A_7 = tpu.memref_slice %arg6[%dma_wait3A] : memref<3584xi32, #tpu.memory_space<vmem>> -> memref<896xi32, #tpu.memory_space<vmem>>
    %dma_wait3A_8 = arith.constant 0 : i32
    %dma_wait3A_9 = arith.constant 0 : i32
    %dma_wait3A_10 = tpu.memref_slice %arg2[%dma_wait3A_8, %dma_wait3A_9] : memref<1000000x128xf32, #tpu.memory_space<hbm>> -> memref<1000000x128xf32, #tpu.memory_space<hbm>>
    tpu.wait_indirect_dma semaphore(%arg8 : memref<!tpu.dma_semaphore, #tpu.memory_space<semaphore_mem>>) src(%dma_wait3A_10 : memref<1000000x128xf32, #tpu.memory_space<hbm>>) dst(%arg7 : memref<896x128xf32, #tpu.memory_space<vmem>>)
    %add3A_11 = arith.constant 0 : i32
    %add3A_12 = arith.addi %mul3A_2, %add3A_11 : i32
    %lt3A = arith.constant 16 : i32
    %lt3A_13 = arith.cmpi slt, %add3A, %lt3A : i32
    %convert_element_type3A = arith.extui %lt3A_13 : i1 to i32
    %cond3A = arith.constant 0 : i32
    %cond3A_14 = arith.cmpi ne, %convert_element_type3A, %cond3A : i32
    scf.if %cond3A_14 {
      "tpu.region"() ({
        %run_scoped3A = tpu.sem_alloc : memref<!tpu.dma_semaphore, #tpu.memory_space<semaphore_mem>>
        %dma_start3A_85 = arith.constant 0 : i32
        %dma_start3A_86 = tpu.memref_slice %arg4[%add3A_12, %dma_start3A_85] : memref<57344x128xf32, #tpu.memory_space<hbm>> -> memref<896x128xf32, #tpu.memory_space<hbm>>
        %dma_start3A_87 = arith.constant 0 : i32
        %dma_start3A_88 = tpu.memref_slice %arg4[%add3A_12, %dma_start3A_87] : memref<57344x128xf32, #tpu.memory_space<hbm>> -> memref<896x128xf32, #tpu.memory_space<hbm>>
        tpu.enqueue_dma source(%arg7 : memref<896x128xf32, #tpu.memory_space<vmem>>) target(%dma_start3A_88 : memref<896x128xf32, #tpu.memory_space<hbm>>) target_semaphore(%run_scoped3A : memref<!tpu.dma_semaphore, #tpu.memory_space<semaphore_mem>>)
        %dma_wait3A_89 = arith.constant 0 : i32
        %dma_wait3A_90 = tpu.memref_slice %arg4[%add3A_12, %dma_wait3A_89] : memref<57344x128xf32, #tpu.memory_space<hbm>> -> memref<896x128xf32, #tpu.memory_space<hbm>>
        %dma_wait3A_91 = arith.constant 0 : i32
        %dma_wait3A_92 = tpu.memref_slice %arg4[%add3A_12, %dma_wait3A_91] : memref<57344x128xf32, #tpu.memory_space<hbm>> -> memref<896x128xf32, #tpu.memory_space<hbm>>
        tpu.wait_dma2 semaphore(%run_scoped3A : memref<!tpu.dma_semaphore, #tpu.memory_space<semaphore_mem>>) src(%arg7 : memref<896x128xf32, #tpu.memory_space<vmem>>) dst(%dma_wait3A_92 : memref<896x128xf32, #tpu.memory_space<hbm>>)
        tpu.yield
      }) : () -> ()
    } else {
    }
    %ge3A = arith.constant 16 : i32
    %ge3A_15 = arith.cmpi sge, %add3A, %ge3A : i32
    %convert_element_type3A_16 = arith.extui %ge3A_15 : i1 to i32
    %cond3A_17 = arith.constant 0 : i32
    %cond3A_18 = arith.cmpi ne, %convert_element_type3A_16, %cond3A_17 : i32
    scf.if %cond3A_18 {
      %sub3A = arith.constant 57344 : i32
      %sub3A_85 = arith.subi %add3A_12, %sub3A : i32
      "tpu.region"() ({
        %run_scoped3A = tpu.sem_alloc : memref<!tpu.dma_semaphore, #tpu.memory_space<semaphore_mem>>
        %dma_start3A_86 = arith.constant 0 : i32
        %dma_start3A_87 = tpu.memref_slice %arg5[%sub3A_85, %dma_start3A_86] : memref<57344x128xf32, #tpu.memory_space<hbm>> -> memref<896x128xf32, #tpu.memory_space<hbm>>
        %dma_start3A_88 = arith.constant 0 : i32
        %dma_start3A_89 = tpu.memref_slice %arg5[%sub3A_85, %dma_start3A_88] : memref<57344x128xf32, #tpu.memory_space<hbm>> -> memref<896x128xf32, #tpu.memory_space<hbm>>
        tpu.enqueue_dma source(%arg7 : memref<896x128xf32, #tpu.memory_space<vmem>>) target(%dma_start3A_89 : memref<896x128xf32, #tpu.memory_space<hbm>>) target_semaphore(%run_scoped3A : memref<!tpu.dma_semaphore, #tpu.memory_space<semaphore_mem>>)
        %dma_wait3A_90 = arith.constant 0 : i32
        %dma_wait3A_91 = tpu.memref_slice %arg5[%sub3A_85, %dma_wait3A_90] : memref<57344x128xf32, #tpu.memory_space<hbm>> -> memref<896x128xf32, #tpu.memory_space<hbm>>
        %dma_wait3A_92 = arith.constant 0 : i32
        %dma_wait3A_93 = tpu.memref_slice %arg5[%sub3A_85, %dma_wait3A_92] : memref<57344x128xf32, #tpu.memory_space<hbm>> -> memref<896x128xf32, #tpu.memory_space<hbm>>
        tpu.wait_dma2 semaphore(%run_scoped3A : memref<!tpu.dma_semaphore, #tpu.memory_space<semaphore_mem>>) src(%arg7 : memref<896x128xf32, #tpu.memory_space<vmem>>) dst(%dma_wait3A_93 : memref<896x128xf32, #tpu.memory_space<hbm>>)
        tpu.yield
      }) : () -> ()
    } else {
    }
    %dma_start3A_19 = arith.constant 896 : i32
    %dma_start3A_20 = tpu.memref_slice %arg6[%dma_start3A_19] : memref<3584xi32, #tpu.memory_space<vmem>> -> memref<896xi32, #tpu.memory_space<vmem>>
    %dma_start3A_21 = arith.constant 0 : i32
    %dma_start3A_22 = arith.constant 0 : i32
    %dma_start3A_23 = tpu.memref_slice %arg2[%dma_start3A_21, %dma_start3A_22] : memref<1000000x128xf32, #tpu.memory_space<hbm>> -> memref<1000000x128xf32, #tpu.memory_space<hbm>>
    tpu.enqueue_indirect_dma source(%dma_start3A_23 : memref<1000000x128xf32, #tpu.memory_space<hbm>>) target(%arg7 : memref<896x128xf32, #tpu.memory_space<vmem>>) offsets(%dma_start3A_20 : memref<896xi32, #tpu.memory_space<vmem>>) semaphore(%arg8 : memref<!tpu.dma_semaphore, #tpu.memory_space<semaphore_mem>>)
    %dma_wait3A_24 = arith.constant 896 : i32
    %dma_wait3A_25 = tpu.memref_slice %arg6[%dma_wait3A_24] : memref<3584xi32, #tpu.memory_space<vmem>> -> memref<896xi32, #tpu.memory_space<vmem>>
    %dma_wait3A_26 = arith.constant 0 : i32
    %dma_wait3A_27 = arith.constant 0 : i32
    %dma_wait3A_28 = tpu.memref_slice %arg2[%dma_wait3A_26, %dma_wait3A_27] : memref<1000000x128xf32, #tpu.memory_space<hbm>> -> memref<1000000x128xf32, #tpu.memory_space<hbm>>
    tpu.wait_indirect_dma semaphore(%arg8 : memref<!tpu.dma_semaphore, #tpu.memory_space<semaphore_mem>>) src(%dma_wait3A_28 : memref<1000000x128xf32, #tpu.memory_space<hbm>>) dst(%arg7 : memref<896x128xf32, #tpu.memory_space<vmem>>)
    %add3A_29 = arith.constant 896 : i32
    %add3A_30 = arith.addi %mul3A_2, %add3A_29 : i32
    %lt3A_31 = arith.constant 16 : i32
    %lt3A_32 = arith.cmpi slt, %add3A, %lt3A_31 : i32
    %convert_element_type3A_33 = arith.extui %lt3A_32 : i1 to i32
    %cond3A_34 = arith.constant 0 : i32
    %cond3A_35 = arith.cmpi ne, %convert_element_type3A_33, %cond3A_34 : i32
    scf.if %cond3A_35 {
      "tpu.region"() ({
        %run_scoped3A = tpu.sem_alloc : memref<!tpu.dma_semaphore, #tpu.memory_space<semaphore_mem>>
        %dma_start3A_85 = arith.constant 0 : i32
        %dma_start3A_86 = tpu.memref_slice %arg4[%add3A_30, %dma_start3A_85] : memref<57344x128xf32, #tpu.memory_space<hbm>> -> memref<896x128xf32, #tpu.memory_space<hbm>>
        %dma_start3A_87 = arith.constant 0 : i32
        %dma_start3A_88 = tpu.memref_slice %arg4[%add3A_30, %dma_start3A_87] : memref<57344x128xf32, #tpu.memory_space<hbm>> -> memref<896x128xf32, #tpu.memory_space<hbm>>
        tpu.enqueue_dma source(%arg7 : memref<896x128xf32, #tpu.memory_space<vmem>>) target(%dma_start3A_88 : memref<896x128xf32, #tpu.memory_space<hbm>>) target_semaphore(%run_scoped3A : memref<!tpu.dma_semaphore, #tpu.memory_space<semaphore_mem>>)
        %dma_wait3A_89 = arith.constant 0 : i32
        %dma_wait3A_90 = tpu.memref_slice %arg4[%add3A_30, %dma_wait3A_89] : memref<57344x128xf32, #tpu.memory_space<hbm>> -> memref<896x128xf32, #tpu.memory_space<hbm>>
        %dma_wait3A_91 = arith.constant 0 : i32
        %dma_wait3A_92 = tpu.memref_slice %arg4[%add3A_30, %dma_wait3A_91] : memref<57344x128xf32, #tpu.memory_space<hbm>> -> memref<896x128xf32, #tpu.memory_space<hbm>>
        tpu.wait_dma2 semaphore(%run_scoped3A : memref<!tpu.dma_semaphore, #tpu.memory_space<semaphore_mem>>) src(%arg7 : memref<896x128xf32, #tpu.memory_space<vmem>>) dst(%dma_wait3A_92 : memref<896x128xf32, #tpu.memory_space<hbm>>)
        tpu.yield
      }) : () -> ()
    } else {
    }
    %ge3A_36 = arith.constant 16 : i32
    %ge3A_37 = arith.cmpi sge, %add3A, %ge3A_36 : i32
    %convert_element_type3A_38 = arith.extui %ge3A_37 : i1 to i32
    %cond3A_39 = arith.constant 0 : i32
    %cond3A_40 = arith.cmpi ne, %convert_element_type3A_38, %cond3A_39 : i32
    scf.if %cond3A_40 {
      %sub3A = arith.constant 57344 : i32
      %sub3A_85 = arith.subi %add3A_30, %sub3A : i32
      "tpu.region"() ({
        %run_scoped3A = tpu.sem_alloc : memref<!tpu.dma_semaphore, #tpu.memory_space<semaphore_mem>>
        %dma_start3A_86 = arith.constant 0 : i32
        %dma_start3A_87 = tpu.memref_slice %arg5[%sub3A_85, %dma_start3A_86] : memref<57344x128xf32, #tpu.memory_space<hbm>> -> memref<896x128xf32, #tpu.memory_space<hbm>>
        %dma_start3A_88 = arith.constant 0 : i32
        %dma_start3A_89 = tpu.memref_slice %arg5[%sub3A_85, %dma_start3A_88] : memref<57344x128xf32, #tpu.memory_space<hbm>> -> memref<896x128xf32, #tpu.memory_space<hbm>>
        tpu.enqueue_dma source(%arg7 : memref<896x128xf32, #tpu.memory_space<vmem>>) target(%dma_start3A_89 : memref<896x128xf32, #tpu.memory_space<hbm>>) target_semaphore(%run_scoped3A : memref<!tpu.dma_semaphore, #tpu.memory_space<semaphore_mem>>)
        %dma_wait3A_90 = arith.constant 0 : i32
        %dma_wait3A_91 = tpu.memref_slice %arg5[%sub3A_85, %dma_wait3A_90] : memref<57344x128xf32, #tpu.memory_space<hbm>> -> memref<896x128xf32, #tpu.memory_space<hbm>>
        %dma_wait3A_92 = arith.constant 0 : i32
        %dma_wait3A_93 = tpu.memref_slice %arg5[%sub3A_85, %dma_wait3A_92] : memref<57344x128xf32, #tpu.memory_space<hbm>> -> memref<896x128xf32, #tpu.memory_space<hbm>>
        tpu.wait_dma2 semaphore(%run_scoped3A : memref<!tpu.dma_semaphore, #tpu.memory_space<semaphore_mem>>) src(%arg7 : memref<896x128xf32, #tpu.memory_space<vmem>>) dst(%dma_wait3A_93 : memref<896x128xf32, #tpu.memory_space<hbm>>)
        tpu.yield
      }) : () -> ()
    } else {
    }
    %dma_start3A_41 = arith.constant 1792 : i32
    %dma_start3A_42 = tpu.memref_slice %arg6[%dma_start3A_41] : memref<3584xi32, #tpu.memory_space<vmem>> -> memref<896xi32, #tpu.memory_space<vmem>>
    %dma_start3A_43 = arith.constant 0 : i32
    %dma_start3A_44 = arith.constant 0 : i32
    %dma_start3A_45 = tpu.memref_slice %arg2[%dma_start3A_43, %dma_start3A_44] : memref<1000000x128xf32, #tpu.memory_space<hbm>> -> memref<1000000x128xf32, #tpu.memory_space<hbm>>
    tpu.enqueue_indirect_dma source(%dma_start3A_45 : memref<1000000x128xf32, #tpu.memory_space<hbm>>) target(%arg7 : memref<896x128xf32, #tpu.memory_space<vmem>>) offsets(%dma_start3A_42 : memref<896xi32, #tpu.memory_space<vmem>>) semaphore(%arg8 : memref<!tpu.dma_semaphore, #tpu.memory_space<semaphore_mem>>)
    %dma_wait3A_46 = arith.constant 1792 : i32
    %dma_wait3A_47 = tpu.memref_slice %arg6[%dma_wait3A_46] : memref<3584xi32, #tpu.memory_space<vmem>> -> memref<896xi32, #tpu.memory_space<vmem>>
    %dma_wait3A_48 = arith.constant 0 : i32
    %dma_wait3A_49 = arith.constant 0 : i32
    %dma_wait3A_50 = tpu.memref_slice %arg2[%dma_wait3A_48, %dma_wait3A_49] : memref<1000000x128xf32, #tpu.memory_space<hbm>> -> memref<1000000x128xf32, #tpu.memory_space<hbm>>
    tpu.wait_indirect_dma semaphore(%arg8 : memref<!tpu.dma_semaphore, #tpu.memory_space<semaphore_mem>>) src(%dma_wait3A_50 : memref<1000000x128xf32, #tpu.memory_space<hbm>>) dst(%arg7 : memref<896x128xf32, #tpu.memory_space<vmem>>)
    %add3A_51 = arith.constant 1792 : i32
    %add3A_52 = arith.addi %mul3A_2, %add3A_51 : i32
    %lt3A_53 = arith.constant 16 : i32
    %lt3A_54 = arith.cmpi slt, %add3A, %lt3A_53 : i32
    %convert_element_type3A_55 = arith.extui %lt3A_54 : i1 to i32
    %cond3A_56 = arith.constant 0 : i32
    %cond3A_57 = arith.cmpi ne, %convert_element_type3A_55, %cond3A_56 : i32
    scf.if %cond3A_57 {
      "tpu.region"() ({
        %run_scoped3A = tpu.sem_alloc : memref<!tpu.dma_semaphore, #tpu.memory_space<semaphore_mem>>
        %dma_start3A_85 = arith.constant 0 : i32
        %dma_start3A_86 = tpu.memref_slice %arg4[%add3A_52, %dma_start3A_85] : memref<57344x128xf32, #tpu.memory_space<hbm>> -> memref<896x128xf32, #tpu.memory_space<hbm>>
        %dma_start3A_87 = arith.constant 0 : i32
        %dma_start3A_88 = tpu.memref_slice %arg4[%add3A_52, %dma_start3A_87] : memref<57344x128xf32, #tpu.memory_space<hbm>> -> memref<896x128xf32, #tpu.memory_space<hbm>>
        tpu.enqueue_dma source(%arg7 : memref<896x128xf32, #tpu.memory_space<vmem>>) target(%dma_start3A_88 : memref<896x128xf32, #tpu.memory_space<hbm>>) target_semaphore(%run_scoped3A : memref<!tpu.dma_semaphore, #tpu.memory_space<semaphore_mem>>)
        %dma_wait3A_89 = arith.constant 0 : i32
        %dma_wait3A_90 = tpu.memref_slice %arg4[%add3A_52, %dma_wait3A_89] : memref<57344x128xf32, #tpu.memory_space<hbm>> -> memref<896x128xf32, #tpu.memory_space<hbm>>
        %dma_wait3A_91 = arith.constant 0 : i32
        %dma_wait3A_92 = tpu.memref_slice %arg4[%add3A_52, %dma_wait3A_91] : memref<57344x128xf32, #tpu.memory_space<hbm>> -> memref<896x128xf32, #tpu.memory_space<hbm>>
        tpu.wait_dma2 semaphore(%run_scoped3A : memref<!tpu.dma_semaphore, #tpu.memory_space<semaphore_mem>>) src(%arg7 : memref<896x128xf32, #tpu.memory_space<vmem>>) dst(%dma_wait3A_92 : memref<896x128xf32, #tpu.memory_space<hbm>>)
        tpu.yield
      }) : () -> ()
    } else {
    }
    %ge3A_58 = arith.constant 16 : i32
    %ge3A_59 = arith.cmpi sge, %add3A, %ge3A_58 : i32
    %convert_element_type3A_60 = arith.extui %ge3A_59 : i1 to i32
    %cond3A_61 = arith.constant 0 : i32
    %cond3A_62 = arith.cmpi ne, %convert_element_type3A_60, %cond3A_61 : i32
    scf.if %cond3A_62 {
      %sub3A = arith.constant 57344 : i32
      %sub3A_85 = arith.subi %add3A_52, %sub3A : i32
      "tpu.region"() ({
        %run_scoped3A = tpu.sem_alloc : memref<!tpu.dma_semaphore, #tpu.memory_space<semaphore_mem>>
        %dma_start3A_86 = arith.constant 0 : i32
        %dma_start3A_87 = tpu.memref_slice %arg5[%sub3A_85, %dma_start3A_86] : memref<57344x128xf32, #tpu.memory_space<hbm>> -> memref<896x128xf32, #tpu.memory_space<hbm>>
        %dma_start3A_88 = arith.constant 0 : i32
        %dma_start3A_89 = tpu.memref_slice %arg5[%sub3A_85, %dma_start3A_88] : memref<57344x128xf32, #tpu.memory_space<hbm>> -> memref<896x128xf32, #tpu.memory_space<hbm>>
        tpu.enqueue_dma source(%arg7 : memref<896x128xf32, #tpu.memory_space<vmem>>) target(%dma_start3A_89 : memref<896x128xf32, #tpu.memory_space<hbm>>) target_semaphore(%run_scoped3A : memref<!tpu.dma_semaphore, #tpu.memory_space<semaphore_mem>>)
        %dma_wait3A_90 = arith.constant 0 : i32
        %dma_wait3A_91 = tpu.memref_slice %arg5[%sub3A_85, %dma_wait3A_90] : memref<57344x128xf32, #tpu.memory_space<hbm>> -> memref<896x128xf32, #tpu.memory_space<hbm>>
        %dma_wait3A_92 = arith.constant 0 : i32
        %dma_wait3A_93 = tpu.memref_slice %arg5[%sub3A_85, %dma_wait3A_92] : memref<57344x128xf32, #tpu.memory_space<hbm>> -> memref<896x128xf32, #tpu.memory_space<hbm>>
        tpu.wait_dma2 semaphore(%run_scoped3A : memref<!tpu.dma_semaphore, #tpu.memory_space<semaphore_mem>>) src(%arg7 : memref<896x128xf32, #tpu.memory_space<vmem>>) dst(%dma_wait3A_93 : memref<896x128xf32, #tpu.memory_space<hbm>>)
        tpu.yield
      }) : () -> ()
    } else {
    }
    %dma_start3A_63 = arith.constant 2688 : i32
    %dma_start3A_64 = tpu.memref_slice %arg6[%dma_start3A_63] : memref<3584xi32, #tpu.memory_space<vmem>> -> memref<896xi32, #tpu.memory_space<vmem>>
    %dma_start3A_65 = arith.constant 0 : i32
    %dma_start3A_66 = arith.constant 0 : i32
    %dma_start3A_67 = tpu.memref_slice %arg2[%dma_start3A_65, %dma_start3A_66] : memref<1000000x128xf32, #tpu.memory_space<hbm>> -> memref<1000000x128xf32, #tpu.memory_space<hbm>>
    tpu.enqueue_indirect_dma source(%dma_start3A_67 : memref<1000000x128xf32, #tpu.memory_space<hbm>>) target(%arg7 : memref<896x128xf32, #tpu.memory_space<vmem>>) offsets(%dma_start3A_64 : memref<896xi32, #tpu.memory_space<vmem>>) semaphore(%arg8 : memref<!tpu.dma_semaphore, #tpu.memory_space<semaphore_mem>>)
    %dma_wait3A_68 = arith.constant 2688 : i32
    %dma_wait3A_69 = tpu.memref_slice %arg6[%dma_wait3A_68] : memref<3584xi32, #tpu.memory_space<vmem>> -> memref<896xi32, #tpu.memory_space<vmem>>
    %dma_wait3A_70 = arith.constant 0 : i32
    %dma_wait3A_71 = arith.constant 0 : i32
    %dma_wait3A_72 = tpu.memref_slice %arg2[%dma_wait3A_70, %dma_wait3A_71] : memref<1000000x128xf32, #tpu.memory_space<hbm>> -> memref<1000000x128xf32, #tpu.memory_space<hbm>>
    tpu.wait_indirect_dma semaphore(%arg8 : memref<!tpu.dma_semaphore, #tpu.memory_space<semaphore_mem>>) src(%dma_wait3A_72 : memref<1000000x128xf32, #tpu.memory_space<hbm>>) dst(%arg7 : memref<896x128xf32, #tpu.memory_space<vmem>>)
    %add3A_73 = arith.constant 2688 : i32
    %add3A_74 = arith.addi %mul3A_2, %add3A_73 : i32
    %lt3A_75 = arith.constant 16 : i32
    %lt3A_76 = arith.cmpi slt, %add3A, %lt3A_75 : i32
    %convert_element_type3A_77 = arith.extui %lt3A_76 : i1 to i32
    %cond3A_78 = arith.constant 0 : i32
    %cond3A_79 = arith.cmpi ne, %convert_element_type3A_77, %cond3A_78 : i32
    scf.if %cond3A_79 {
      "tpu.region"() ({
        %run_scoped3A = tpu.sem_alloc : memref<!tpu.dma_semaphore, #tpu.memory_space<semaphore_mem>>
        %dma_start3A_85 = arith.constant 0 : i32
        %dma_start3A_86 = tpu.memref_slice %arg4[%add3A_74, %dma_start3A_85] : memref<57344x128xf32, #tpu.memory_space<hbm>> -> memref<896x128xf32, #tpu.memory_space<hbm>>
        %dma_start3A_87 = arith.constant 0 : i32
        %dma_start3A_88 = tpu.memref_slice %arg4[%add3A_74, %dma_start3A_87] : memref<57344x128xf32, #tpu.memory_space<hbm>> -> memref<896x128xf32, #tpu.memory_space<hbm>>
        tpu.enqueue_dma source(%arg7 : memref<896x128xf32, #tpu.memory_space<vmem>>) target(%dma_start3A_88 : memref<896x128xf32, #tpu.memory_space<hbm>>) target_semaphore(%run_scoped3A : memref<!tpu.dma_semaphore, #tpu.memory_space<semaphore_mem>>)
        %dma_wait3A_89 = arith.constant 0 : i32
        %dma_wait3A_90 = tpu.memref_slice %arg4[%add3A_74, %dma_wait3A_89] : memref<57344x128xf32, #tpu.memory_space<hbm>> -> memref<896x128xf32, #tpu.memory_space<hbm>>
        %dma_wait3A_91 = arith.constant 0 : i32
        %dma_wait3A_92 = tpu.memref_slice %arg4[%add3A_74, %dma_wait3A_91] : memref<57344x128xf32, #tpu.memory_space<hbm>> -> memref<896x128xf32, #tpu.memory_space<hbm>>
        tpu.wait_dma2 semaphore(%run_scoped3A : memref<!tpu.dma_semaphore, #tpu.memory_space<semaphore_mem>>) src(%arg7 : memref<896x128xf32, #tpu.memory_space<vmem>>) dst(%dma_wait3A_92 : memref<896x128xf32, #tpu.memory_space<hbm>>)
        tpu.yield
      }) : () -> ()
    } else {
    }
    %ge3A_80 = arith.constant 16 : i32
    %ge3A_81 = arith.cmpi sge, %add3A, %ge3A_80 : i32
    %convert_element_type3A_82 = arith.extui %ge3A_81 : i1 to i32
    %cond3A_83 = arith.constant 0 : i32
    %cond3A_84 = arith.cmpi ne, %convert_element_type3A_82, %cond3A_83 : i32
    scf.if %cond3A_84 {
      %sub3A = arith.constant 57344 : i32
      %sub3A_85 = arith.subi %add3A_74, %sub3A : i32
      "tpu.region"() ({
        %run_scoped3A = tpu.sem_alloc : memref<!tpu.dma_semaphore, #tpu.memory_space<semaphore_mem>>
        %dma_start3A_86 = arith.constant 0 : i32
        %dma_start3A_87 = tpu.memref_slice %arg5[%sub3A_85, %dma_start3A_86] : memref<57344x128xf32, #tpu.memory_space<hbm>> -> memref<896x128xf32, #tpu.memory_space<hbm>>
        %dma_start3A_88 = arith.constant 0 : i32
        %dma_start3A_89 = tpu.memref_slice %arg5[%sub3A_85, %dma_start3A_88] : memref<57344x128xf32, #tpu.memory_space<hbm>> -> memref<896x128xf32, #tpu.memory_space<hbm>>
        tpu.enqueue_dma source(%arg7 : memref<896x128xf32, #tpu.memory_space<vmem>>) target(%dma_start3A_89 : memref<896x128xf32, #tpu.memory_space<hbm>>) target_semaphore(%run_scoped3A : memref<!tpu.dma_semaphore, #tpu.memory_space<semaphore_mem>>)
        %dma_wait3A_90 = arith.constant 0 : i32
        %dma_wait3A_91 = tpu.memref_slice %arg5[%sub3A_85, %dma_wait3A_90] : memref<57344x128xf32, #tpu.memory_space<hbm>> -> memref<896x128xf32, #tpu.memory_space<hbm>>
        %dma_wait3A_92 = arith.constant 0 : i32
        %dma_wait3A_93 = tpu.memref_slice %arg5[%sub3A_85, %dma_wait3A_92] : memref<57344x128xf32, #tpu.memory_space<hbm>> -> memref<896x128xf32, #tpu.memory_space<hbm>>
        tpu.wait_dma2 semaphore(%run_scoped3A : memref<!tpu.dma_semaphore, #tpu.memory_space<semaphore_mem>>) src(%arg7 : memref<896x128xf32, #tpu.memory_space<vmem>>) dst(%dma_wait3A_93 : memref<896x128xf32, #tpu.memory_space<hbm>>)
        tpu.yield
      }) : () -> ()
    } else {
    }
    return
  }
}

module attributes {stable_mosaic.version = 14 : i64} {
  func.func @_build_body(%arg0: i32, %arg1: memref<64x8192xf32, #tpu.memory_space<vmem>>, %arg2: memref<64x128xf32, #tpu.memory_space<vmem>>, %arg3: memref<8192x128xf32, #tpu.memory_space<vmem>>, %arg4: memref<64x8192xf32, #tpu.memory_space<vmem>>) attributes {dimension_semantics = [#tpu.dimension_semantics<arbitrary>], iteration_bounds = array<i64: 123>, scalar_prefetch = 0 : i64, scratch_operands = 0 : i64, tpu.core_type = #tpu.core_type<tc>, window_params = [{transform_indices = @transform_0, window_bounds = array<i64: 64, 8192>}, {transform_indices = @transform_1, window_bounds = array<i64: 64, 128>}, {transform_indices = @transform_2, window_bounds = array<i64: 8192, 128>}, {transform_indices = @transform_3, window_bounds = array<i64: 64, 8192>}]} {
    %get3A = arith.constant 0 : index
    %get3A_0 = arith.constant 0 : index
    %get3A_1 = vector.load %arg1[%get3A, %get3A_0] : memref<64x8192xf32, #tpu.memory_space<vmem>>, vector<64x8192xf32>
    %iota3A = tpu.iota {dimensions = array<i32: 0>} : vector<64x128xi32>
    %iota3A_2 = tpu.iota {dimensions = array<i32: 1>} : vector<64x128xi32>
    %eq3A = arith.cmpi eq, %iota3A, %iota3A_2 : vector<64x128xi32>
    %convert_element_type3A = arith.extui %eq3A : vector<64x128xi1> to vector<64x128xi32>
    %convert_element_type3A_3 = arith.sitofp %convert_element_type3A : vector<64x128xi32> to vector<64x128xf32>
    %dot_general3A = arith.constant dense<0.000000e+00> : vector<8192x128xf32>
    %dot_general3A_4 = tpu.matmul %get3A_1, %convert_element_type3A_3, %dot_general3A {dimension_numbers = #tpu.dot_dimension_numbers<[0], [0], [1], [1], [0, 1, 1, 1], [], []>, transpose_lhs_hint = false} : vector<64x8192xf32>, vector<64x128xf32>, vector<8192x128xf32> -> vector<8192x128xf32>
    %swap3A = arith.constant 0 : index
    %swap3A_5 = arith.constant 0 : index
    %swap3A_6 = vector.load %arg3[%swap3A, %swap3A_5] : memref<8192x128xf32, #tpu.memory_space<vmem>>, vector<8192x128xf32>
    tpu.vector_store %arg3[%swap3A, %swap3A_5], %dot_general3A_4 {strides = array<i32>} : memref<8192x128xf32, #tpu.memory_space<vmem>>, vector<8192x128xf32>,
    %get3A_7 = arith.constant 0 : index
    %get3A_8 = arith.constant 0 : index
    %get3A_9 = vector.load %arg2[%get3A_7, %get3A_8] : memref<64x128xf32, #tpu.memory_space<vmem>>, vector<64x128xf32>
    %eq3A_10 = arith.constant 0 : i32
    %eq3A_11 = arith.cmpi eq, %arg0, %eq3A_10 : i32
    %jit3A = arith.constant 0.000000e+00 : f32
    %jit3A_12 = arith.constant 1.000000e+00 : f32
    %select_n3A = arith.select %eq3A_11, %jit3A, %jit3A_12 : f32
    %slice3A = vector.extract_strided_slice %get3A_9 {offsets = [0, 127], sizes = [64, 1], strides = [1, 1]} : vector<64x128xf32> to vector<64x1xf32>
    %mul3A = vector.broadcast %select_n3A : f32 to vector<64x1xf32>
    %mul3A_13 = arith.mulf %mul3A, %slice3A : vector<64x1xf32>
    %slice3A_14 = vector.extract_strided_slice %get3A_1 {offsets = [0, 0], sizes = [64, 8191], strides = [1, 1]} : vector<64x8192xf32> to vector<64x8191xf32>
    %concatenate3A = tpu.concatenate %mul3A_13, %slice3A_14 in 1 : vector<64x1xf32>, vector<64x8191xf32> -> vector<64x8192xf32>
    %swap3A_15 = arith.constant 0 : index
    %swap3A_16 = arith.constant 0 : index
    %swap3A_17 = vector.load %arg4[%swap3A_15, %swap3A_16] : memref<64x8192xf32, #tpu.memory_space<vmem>>, vector<64x8192xf32>
    tpu.vector_store %arg4[%swap3A_15, %swap3A_16], %concatenate3A {strides = array<i32>} : memref<64x8192xf32, #tpu.memory_space<vmem>>, vector<64x8192xf32>,
    return
  }
  func.func @transform_0(%arg0: i32) -> (i32, i32) {
    %c0_i32 = arith.constant 0 : i32
    %c0_i32_0 = arith.constant 0 : i32
    return %c0_i32, %arg0 : i32, i32
  }
  func.func @transform_1(%arg0: i32) -> (i32, i32) {
    %mul3A = arith.constant 64 : i32
    %mul3A_0 = arith.muli %arg0, %mul3A : i32
    %sub3A = arith.constant 1 : i32
    %sub3A_1 = arith.subi %mul3A_0, %sub3A : i32
    %max3A = arith.constant 0 : i32
    %max3A_2 = arith.maxsi %sub3A_1, %max3A : i32
    %c0_i32 = arith.constant 0 : i32
    %c0_i32_3 = arith.constant 0 : i32
    return %c0_i32, %max3A_2 : i32, i32
  }
  func.func @transform_2(%arg0: i32) -> (i32, i32) {
    %c0_i32 = arith.constant 0 : i32
    %c0_i32_0 = arith.constant 0 : i32
    return %arg0, %c0_i32 : i32, i32
  }
  func.func @transform_3(%arg0: i32) -> (i32, i32) {
    %c0_i32 = arith.constant 0 : i32
    %c0_i32_0 = arith.constant 0 : i32
    return %c0_i32, %arg0 : i32, i32
  }
}

module attributes {stable_mosaic.version = 14 : i64} {
  func.func @_attn_body(%arg0: i32, %arg1: memref<64x56x128xf32, #tpu.memory_space<vmem>>, %arg2: memref<64x56x128xf32, #tpu.memory_space<vmem>>, %arg3: memref<64x56xi32, #tpu.memory_space<vmem>>, %arg4: memref<64x56xi32, #tpu.memory_space<vmem>>, %arg5: memref<64x50x50xf32, #tpu.memory_space<vmem>>, %arg6: memref<64x56xf32, #tpu.memory_space<vmem>>, %arg7: memref<8x128xf32, #tpu.memory_space<vmem>>, %arg8: memref<8x128xf32, #tpu.memory_space<vmem>>, %arg9: memref<64x50x64xf32, #tpu.memory_space<vmem>>) attributes {dimension_semantics = [#tpu.dimension_semantics<arbitrary>], iteration_bounds = array<i64: 16>, scalar_prefetch = 0 : i64, scratch_operands = 0 : i64, tpu.core_type = #tpu.core_type<tc>, window_params = [{transform_indices = @transform_0, window_bounds = array<i64: 64, 56, 128>}, {transform_indices = @transform_1, window_bounds = array<i64: 64, 56, 128>}, {transform_indices = @transform_2, window_bounds = array<i64: 64, 56>}, {transform_indices = @transform_3, window_bounds = array<i64: 64, 56>}, {transform_indices = @transform_4, window_bounds = array<i64: 64, 50, 50>}, {transform_indices = @transform_5, window_bounds = array<i64: 64, 56>}, {pipeline_mode = #tpu.pipeline_mode<synchronous>, transform_indices = @transform_6, window_bounds = array<i64: 8, 128>}, {pipeline_mode = #tpu.pipeline_mode<synchronous>, transform_indices = @transform_7, window_bounds = array<i64: 8, 128>}, {transform_indices = @transform_8, window_bounds = array<i64: 64, 50, 64>}]} {
    %get3A = arith.constant 0 : index
    %get3A_0 = arith.constant 0 : index
    %get3A_1 = arith.constant 0 : index
    %get3A_2 = vector.load %arg5[%get3A, %get3A_0, %get3A_1] : memref<64x50x50xf32, #tpu.memory_space<vmem>>, vector<64x50x50xf32>
    %get3A_3 = arith.constant 0 : index
    %get3A_4 = arith.constant 0 : index
    %get3A_5 = vector.load %arg6[%get3A_3, %get3A_4] : memref<64x56xf32, #tpu.memory_space<vmem>>, vector<64x56xf32>
    %slice3A = vector.extract_strided_slice %get3A_5 {offsets = [0, 0], sizes = [64, 50], strides = [1, 1]} : vector<64x56xf32> to vector<64x50xf32>
    %get3A_6 = arith.constant 0 : index
    %get3A_7 = arith.constant 0 : index
    %get3A_8 = vector.load %arg7[%get3A_6, %get3A_7] : memref<8x128xf32, #tpu.memory_space<vmem>>, vector<8x128xf32>
    %slice3A_9 = vector.extract_strided_slice %get3A_8 {offsets = [0, 0], sizes = [1, 128], strides = [1, 1]} : vector<8x128xf32> to vector<1x128xf32>
    %reshape3A = vector.shape_cast %slice3A_9 : vector<1x128xf32> to vector<1x1x128xf32>
    %get3A_10 = arith.constant 0 : index
    %get3A_11 = arith.constant 0 : index
    %get3A_12 = vector.load %arg8[%get3A_10, %get3A_11] : memref<8x128xf32, #tpu.memory_space<vmem>>, vector<8x128xf32>
    %slice3A_13 = vector.extract_strided_slice %get3A_12 {offsets = [0, 0], sizes = [1, 128], strides = [1, 1]} : vector<8x128xf32> to vector<1x128xf32>
    %reshape3A_14 = vector.shape_cast %slice3A_13 : vector<1x128xf32> to vector<1x1x128xf32>
    %get3A_15 = arith.constant 0 : index
    %get3A_16 = arith.constant 0 : index
    %get3A_17 = arith.constant 0 : index
    %get3A_18 = vector.load %arg1[%get3A_15, %get3A_16, %get3A_17] : memref<64x56x128xf32, #tpu.memory_space<vmem>>, vector<64x56x128xf32>
    %slice3A_19 = vector.extract_strided_slice %get3A_18 {offsets = [0, 0, 0], sizes = [64, 50, 128], strides = [1, 1, 1]} : vector<64x56x128xf32> to vector<64x50x128xf32>
    %get3A_20 = arith.constant 0 : index
    %get3A_21 = arith.constant 0 : index
    %get3A_22 = vector.load %arg3[%get3A_20, %get3A_21] : memref<64x56xi32, #tpu.memory_space<vmem>>, vector<64x56xi32>
    %slice3A_23 = vector.extract_strided_slice %get3A_22 {offsets = [0, 0], sizes = [64, 50], strides = [1, 1]} : vector<64x56xi32> to vector<64x50xi32>
    %ne3A = arith.constant 0 : i32
    %ne3A_24 = vector.broadcast %ne3A : i32 to vector<64x50xi32>
    %ne3A_25 = arith.cmpi ne, %slice3A_23, %ne3A_24 : vector<64x50xi32>
    %convert_element_type3A = arith.extui %ne3A_25 : vector<64x50xi1> to vector<64x50xi32>
    %convert_element_type3A_26 = arith.sitofp %convert_element_type3A : vector<64x50xi32> to vector<64x50xf32>
    %broadcast_in_dim3A = vector.shape_cast %convert_element_type3A_26 : vector<64x50xf32> to vector<64x50x1xf32>
    %mul3A = vector.broadcast %broadcast_in_dim3A : vector<64x50x1xf32> to vector<64x50x128xf32>
    %mul3A_27 = arith.mulf %slice3A_19, %mul3A : vector<64x50x128xf32>
    %get3A_28 = arith.constant 0 : index
    %get3A_29 = arith.constant 0 : index
    %get3A_30 = arith.constant 0 : index
    %get3A_31 = vector.load %arg2[%get3A_28, %get3A_29, %get3A_30] : memref<64x56x128xf32, #tpu.memory_space<vmem>>, vector<64x56x128xf32>
    %slice3A_32 = vector.extract_strided_slice %get3A_31 {offsets = [0, 0, 0], sizes = [64, 50, 128], strides = [1, 1, 1]} : vector<64x56x128xf32> to vector<64x50x128xf32>
    %get3A_33 = arith.constant 0 : index
    %get3A_34 = arith.constant 0 : index
    %get3A_35 = vector.load %arg4[%get3A_33, %get3A_34] : memref<64x56xi32, #tpu.memory_space<vmem>>, vector<64x56xi32>
    %slice3A_36 = vector.extract_strided_slice %get3A_35 {offsets = [0, 0], sizes = [64, 50], strides = [1, 1]} : vector<64x56xi32> to vector<64x50xi32>
    %ne3A_37 = arith.constant 0 : i32
    %ne3A_38 = vector.broadcast %ne3A_37 : i32 to vector<64x50xi32>
    %ne3A_39 = arith.cmpi ne, %slice3A_36, %ne3A_38 : vector<64x50xi32>
    %convert_element_type3A_40 = arith.extui %ne3A_39 : vector<64x50xi1> to vector<64x50xi32>
    %convert_element_type3A_41 = arith.sitofp %convert_element_type3A_40 : vector<64x50xi32> to vector<64x50xf32>
    %mul3A_42 = arith.mulf %convert_element_type3A_41, %slice3A : vector<64x50xf32>
    %broadcast_in_dim3A_43 = vector.shape_cast %mul3A_42 : vector<64x50xf32> to vector<64x50x1xf32>
    %mul3A_44 = vector.broadcast %broadcast_in_dim3A_43 : vector<64x50x1xf32> to vector<64x50x128xf32>
    %mul3A_45 = arith.mulf %slice3A_32, %mul3A_44 : vector<64x50x128xf32>
    %reduce_sum3A = arith.constant dense<0.000000e+00> : vector<64x128xf32>
    %reduce_sum3A_46 = vector.multi_reduction <add>, %mul3A_45, %reduce_sum3A [1] : vector<64x50x128xf32> to vector<64x128xf32>
    %reduce_sum3A_47 = arith.constant dense<0.000000e+00> : vector<64xf32>
    %reduce_sum3A_48 = vector.multi_reduction <add>, %slice3A, %reduce_sum3A_47 [1] : vector<64x50xf32> to vector<64xf32>
    %broadcast_in_dim3A_49 = vector.shape_cast %reduce_sum3A_48 : vector<64xf32> to vector<64x1xf32>
    %div3A = vector.broadcast %broadcast_in_dim3A_49 : vector<64x1xf32> to vector<64x128xf32>
    %div3A_50 = arith.divf %reduce_sum3A_46, %div3A : vector<64x128xf32>
    %mul3A_51 = vector.broadcast %reshape3A : vector<1x1x128xf32> to vector<64x50x128xf32>
    %mul3A_52 = arith.mulf %mul3A_27, %mul3A_51 : vector<64x50x128xf32>
    %reduce_sum3A_53 = arith.constant dense<0.000000e+00> : vector<64x50xf32>
    %reduce_sum3A_54 = vector.multi_reduction <add>, %mul3A_52, %reduce_sum3A_53 [2] : vector<64x50x128xf32> to vector<64x50xf32>
    %ge3A = arith.constant 0.000000e+00 : f32
    %ge3A_55 = vector.broadcast %ge3A : f32 to vector<64x50xf32>
    %ge3A_56 = arith.cmpf oge, %reduce_sum3A_54, %ge3A_55 : vector<64x50xf32>
    %mul3A_57 = arith.constant 2.000000e-01 : f32
    %mul3A_58 = vector.broadcast %mul3A_57 : f32 to vector<64x50xf32>
    %mul3A_59 = arith.mulf %mul3A_58, %reduce_sum3A_54 : vector<64x50xf32>
    %select_n3A = arith.select %ge3A_56, %reduce_sum3A_54, %mul3A_59 : vector<64x50xi1>, vector<64x50xf32>
    %gt3A = arith.constant 0.000000e+00 : f32
    %gt3A_60 = vector.broadcast %gt3A : f32 to vector<64x50x50xf32>
    %gt3A_61 = arith.cmpf ogt, %get3A_2, %gt3A_60 : vector<64x50x50xf32>
    %broadcast_in_dim3A_62 = vector.shape_cast %select_n3A : vector<64x50xf32> to vector<64x1x50xf32>
    %mul3A_63 = vector.broadcast %broadcast_in_dim3A_62 : vector<64x1x50xf32> to vector<64x50x50xf32>
    %mul3A_64 = arith.mulf %get3A_2, %mul3A_63 : vector<64x50x50xf32>
    %jit3A = arith.constant -1.000000e+09 : f32
    %broadcast_in_dim3A_65 = vector.broadcast %jit3A : f32 to vector<64x50x50xf32>
    %select_n3A_66 = arith.select %gt3A_61, %mul3A_64, %broadcast_in_dim3A_65 : vector<64x50x50xi1>, vector<64x50x50xf32>
    %reduce_max3A = arith.constant dense<0xFF800000> : vector<64x50xf32>
    %reduce_max3A_67 = vector.multi_reduction <maximumf>, %select_n3A_66, %reduce_max3A [2] : vector<64x50x50xf32> to vector<64x50xf32>
    %broadcast_in_dim3A_68 = vector.shape_cast %reduce_max3A_67 : vector<64x50xf32> to vector<64x50x1xf32>
    %sub3A = vector.broadcast %broadcast_in_dim3A_68 : vector<64x50x1xf32> to vector<64x50x50xf32>
    %sub3A_69 = arith.subf %select_n3A_66, %sub3A : vector<64x50x50xf32>
    %exp3A = math.exp %sub3A_69 : vector<64x50x50xf32>
    %reduce_sum3A_70 = arith.constant dense<0.000000e+00> : vector<64x50xf32>
    %reduce_sum3A_71 = vector.multi_reduction <add>, %exp3A, %reduce_sum3A_70 [2] : vector<64x50x50xf32> to vector<64x50xf32>
    %broadcast_in_dim3A_72 = vector.shape_cast %reduce_sum3A_71 : vector<64x50xf32> to vector<64x50x1xf32>
    %div3A_73 = vector.broadcast %broadcast_in_dim3A_72 : vector<64x50x1xf32> to vector<64x50x50xf32>
    %div3A_74 = arith.divf %exp3A, %div3A_73 : vector<64x50x50xf32>
    %dot_general3A = arith.constant dense<0.000000e+00> : vector<64x50x128xf32>
    %dot_general3A_75 = tpu.matmul %div3A_74, %mul3A_27, %dot_general3A {dimension_numbers = #tpu.dot_dimension_numbers<[2], [1], [1], [2], [0, 0, 0, 1, 1, 2], [0], [0]>, transpose_lhs_hint = false} : vector<64x50x50xf32>, vector<64x50x128xf32>, vector<64x50x128xf32> -> vector<64x50x128xf32>
    %mul3A_76 = vector.broadcast %reshape3A_14 : vector<1x1x128xf32> to vector<64x50x128xf32>
    %mul3A_77 = arith.mulf %dot_general3A_75, %mul3A_76 : vector<64x50x128xf32>
    %reduce_sum3A_78 = arith.constant dense<0.000000e+00> : vector<64x50xf32>
    %reduce_sum3A_79 = vector.multi_reduction <add>, %mul3A_77, %reduce_sum3A_78 [2] : vector<64x50x128xf32> to vector<64x50xf32>
    %ge3A_80 = arith.constant 0.000000e+00 : f32
    %ge3A_81 = vector.broadcast %ge3A_80 : f32 to vector<64x50xf32>
    %ge3A_82 = arith.cmpf oge, %reduce_sum3A_79, %ge3A_81 : vector<64x50xf32>
    %mul3A_83 = arith.constant 2.000000e-01 : f32
    %mul3A_84 = vector.broadcast %mul3A_83 : f32 to vector<64x50xf32>
    %mul3A_85 = arith.mulf %mul3A_84, %reduce_sum3A_79 : vector<64x50xf32>
    %select_n3A_86 = arith.select %ge3A_82, %reduce_sum3A_79, %mul3A_85 : vector<64x50xi1>, vector<64x50xf32>
    %gt3A_87 = arith.constant 0.000000e+00 : f32
    %gt3A_88 = vector.broadcast %gt3A_87 : f32 to vector<64x50x50xf32>
    %gt3A_89 = arith.cmpf ogt, %get3A_2, %gt3A_88 : vector<64x50x50xf32>
    %broadcast_in_dim3A_90 = vector.shape_cast %select_n3A_86 : vector<64x50xf32> to vector<64x50x1xf32>
    %mul3A_91 = vector.broadcast %broadcast_in_dim3A_90 : vector<64x50x1xf32> to vector<64x50x50xf32>
    %mul3A_92 = arith.mulf %get3A_2, %mul3A_91 : vector<64x50x50xf32>
    %jit3A_93 = arith.constant -1.000000e+09 : f32
    %broadcast_in_dim3A_94 = vector.broadcast %jit3A_93 : f32 to vector<64x50x50xf32>
    %select_n3A_95 = arith.select %gt3A_89, %mul3A_92, %broadcast_in_dim3A_94 : vector<64x50x50xi1>, vector<64x50x50xf32>
    %reduce_max3A_96 = arith.constant dense<0xFF800000> : vector<64x50xf32>
    %reduce_max3A_97 = vector.multi_reduction <maximumf>, %select_n3A_95, %reduce_max3A_96 [1] : vector<64x50x50xf32> to vector<64x50xf32>
    %broadcast_in_dim3A_98 = vector.shape_cast %reduce_max3A_97 : vector<64x50xf32> to vector<64x1x50xf32>
    %sub3A_99 = vector.broadcast %broadcast_in_dim3A_98 : vector<64x1x50xf32> to vector<64x50x50xf32>
    %sub3A_100 = arith.subf %select_n3A_95, %sub3A_99 : vector<64x50x50xf32>
    %exp3A_101 = math.exp %sub3A_100 : vector<64x50x50xf32>
    %reduce_sum3A_102 = arith.constant dense<0.000000e+00> : vector<64x50xf32>
    %reduce_sum3A_103 = vector.multi_reduction <add>, %exp3A_101, %reduce_sum3A_102 [1] : vector<64x50x50xf32> to vector<64x50xf32>
    %broadcast_in_dim3A_104 = vector.shape_cast %reduce_sum3A_103 : vector<64x50xf32> to vector<64x1x50xf32>
    %div3A_105 = vector.broadcast %broadcast_in_dim3A_104 : vector<64x1x50xf32> to vector<64x50x50xf32>
    %div3A_106 = arith.divf %exp3A_101, %div3A_105 : vector<64x50x50xf32>
    %dot_general3A_107 = arith.constant dense<0.000000e+00> : vector<64x50x128xf32>
    %dot_general3A_108 = tpu.matmul %div3A_106, %dot_general3A_75, %dot_general3A_107 {dimension_numbers = #tpu.dot_dimension_numbers<[1], [1], [2], [2], [0, 0, 0, 2, 1, 2], [0], [0]>, transpose_lhs_hint = false} : vector<64x50x50xf32>, vector<64x50x128xf32>, vector<64x50x128xf32> -> vector<64x50x128xf32>
    %broadcast_in_dim3A_109 = vector.shape_cast %div3A_50 : vector<64x128xf32> to vector<64x1x128xf32>
    %add3A = vector.broadcast %broadcast_in_dim3A_109 : vector<64x1x128xf32> to vector<64x50x128xf32>
    %add3A_110 = arith.addf %dot_general3A_108, %add3A : vector<64x50x128xf32>
    %slice3A_111 = vector.extract_strided_slice %add3A_110 {offsets = [0, 0, 0], sizes = [64, 50, 64], strides = [1, 1, 1]} : vector<64x50x128xf32> to vector<64x50x64xf32>
    %swap3A = arith.constant 0 : index
    %swap3A_112 = arith.constant 0 : index
    %swap3A_113 = arith.constant 0 : index
    %swap3A_114 = vector.load %arg9[%swap3A, %swap3A_112, %swap3A_113] : memref<64x50x64xf32, #tpu.memory_space<vmem>>, vector<64x50x64xf32>
    tpu.vector_store %arg9[%swap3A, %swap3A_112, %swap3A_113], %slice3A_111 {strides = array<i32>} : memref<64x50x64xf32, #tpu.memory_space<vmem>>, vector<64x50x64xf32>,
    return
  }
  func.func @transform_0(%arg0: i32) -> (i32, i32, i32) {
    %c0_i32 = arith.constant 0 : i32
    %c0_i32_0 = arith.constant 0 : i32
    %c0_i32_1 = arith.constant 0 : i32
    return %arg0, %c0_i32, %c0_i32_0 : i32, i32, i32
  }
  func.func @transform_1(%arg0: i32) -> (i32, i32, i32) {
    %c0_i32 = arith.constant 0 : i32
    %c0_i32_0 = arith.constant 0 : i32
    %c0_i32_1 = arith.constant 0 : i32
    return %arg0, %c0_i32, %c0_i32_0 : i32, i32, i32
  }
  func.func @transform_2(%arg0: i32) -> (i32, i32) {
    %c0_i32 = arith.constant 0 : i32
    %c0_i32_0 = arith.constant 0 : i32
    return %arg0, %c0_i32 : i32, i32
  }
  func.func @transform_3(%arg0: i32) -> (i32, i32) {
    %c0_i32 = arith.constant 0 : i32
    %c0_i32_0 = arith.constant 0 : i32
    return %arg0, %c0_i32 : i32, i32
  }
  func.func @transform_4(%arg0: i32) -> (i32, i32, i32) {
    %c0_i32 = arith.constant 0 : i32
    %c0_i32_0 = arith.constant 0 : i32
    %c0_i32_1 = arith.constant 0 : i32
    return %arg0, %c0_i32, %c0_i32_0 : i32, i32, i32
  }
  func.func @transform_5(%arg0: i32) -> (i32, i32) {
    %c0_i32 = arith.constant 0 : i32
    %c0_i32_0 = arith.constant 0 : i32
    return %arg0, %c0_i32 : i32, i32
  }
  func.func @transform_6(%arg0: i32) -> (i32, i32) {
    %c0_i32 = arith.constant 0 : i32
    %c0_i32_0 = arith.constant 0 : i32
    %c0_i32_1 = arith.constant 0 : i32
    return %c0_i32, %c0_i32_0 : i32, i32
  }
  func.func @transform_7(%arg0: i32) -> (i32, i32) {
    %c0_i32 = arith.constant 0 : i32
    %c0_i32_0 = arith.constant 0 : i32
    %c0_i32_1 = arith.constant 0 : i32
    return %c0_i32, %c0_i32_0 : i32, i32
  }
  func.func @transform_8(%arg0: i32) -> (i32, i32, i32) {
    %c0_i32 = arith.constant 0 : i32
    %c0_i32_0 = arith.constant 0 : i32
    %c0_i32_1 = arith.constant 0 : i32
    return %arg0, %c0_i32, %c0_i32_0 : i32, i32, i32
  }
}

</mosaic_0001>

<sc_bundles>
// kernel: kernel.5.cloned.1.call-start
scs
__scs_entry_jumppad:
0x0: {  	(pc) =	sbr.rel $0x88, $3  }
0x1: {  	(tag) =	ssettag $0x0;
	lr =	simm.s32 $0x1  }
0x2: {  	[smem:$0x3F9A] =	sst lr;
	_ =	strace $0xD0000000  }
0x3: {  	_ = 	snop  }
0x4: {  	_ = 	snop  }
0x5: {  	_ = 	snop  }
0x6: {  	_ = 	snop  }
0x7: {  	_ = 	snop  }
__scs_overlays_trampoline_lowered:
0x8: {  	[smem:$0x3FA9] =	sst s0  }
0x9: {  	[smem:$0x3FAA] =	sst s1  }
0xa: {  	[smem:$0x3FAB] =	sst s2  }
0xb: {  	[smem:$0x3FAC] =	sst s3  }
0xc: {  	[smem:$0x3FAD] =	sst s4  }
0xd: {  	[smem:$0x3FAE] =	sst s5  }
0xe: {  	[smem:$0x3FAF] =	sst s6  }
0xf: {  	[smem:$0x3FB0] =	sst s7  }
0x10: {  	[smem:$0x3FB1] =	sst s8  }
0x11: {  	[smem:$0x3FB2] =	sst s9;
	s0 =	simm.s32 @!p0 $0x0  }
0x12: {  	s1 =	sld [smem:$0x3F98];
	s0 =	simm.s32 @p0 $0x1  }
0x13: {  	[smem:$0x3FB3] =	sst s0;
	s0 =	simm.s32 @!p1 $0x0  }
0x14: {  	s2 =	sld [smem:$0x3F97];
	s0 =	simm.s32 @p1 $0x1  }
0x15: {  	[smem:$0x3FB4] =	sst s0;
	s0 =	simm.s32 @!p2 $0x0  }
0x16: {  	s3 =	sld [smem:$0x3FDB];
	s0 =	simm.s32 @p2 $0x1  }
0x17: {  	s4 =	simm.s32 $0x1BF5;
	[smem:$0x3FB6] =	sst s0  }
0x18: {  	s0 =	sld [smem:$0x3F99];
	_ =	swait.ge [sflag:s4], $0x0  }
0x19: {  	s7 =	sld [smem:$0x3F9A]  }
0x1a: {  	s8 =	sadd.s32 $0xFFFFE003, lr  }
0x1b: {  	s9 =	sadd.s32 $0xFFFFFEF7, lr;
	s5 =	simm.s32 $0xFFFFFFFF;
	p2 =	slt.u32 s8, $0xFFFFF086  }
0x1c: {  	p1 =	slt.u32 s9, $0xF7A;
	s5 =	simm.s32 @!p2 $0x0  }
0x1d: {  	s5 =	simm.s32 @p1 $0x1;
	p0 =	seq.s32 s7, s2  }
0x1e: {  	s7 =	smul.u32 @!p0 $0xF7A, s2;
	p2 =	seq.s32 @!p0 s5, $0x0  }
0x1f: {  	s9 =	smul.u32 $0xF7A, s1;
	s8 =	simm.s32 @!p0 $0x1BF5;
	p2 =	por !p2, p0  }
0x20: {  	[sflag:s8] =	ssyncset.s32 @!p0 $0xFFFFF086;
	s6 =	sadd.s32 @!p0 s3, s7;
	s7 =	simm.s32 @!p0 $0x108  }
0x21: {  	s3 =	sadd.s32 s3, s9;
	s6 =	sadd.s32 @!p0 $0x88, s6;
	s7 =	simm.s32 @p2 $0x1082  }
0x22: {  	[simem:s7], [sflag:s8] =	dma.local @!p0 [hbm:s6], $0xF7A  }
0x23: {  	s9 =	sor.u32 $0xD0000000, s2;
	s6 =	simm.s32 $0x108;
	_ =	swait.ge @!p0 [sflag:s8], $0x0  }
0x24: {  	s3 =	sadd.s32 $0x88, s3;
	s6 =	simm.s32 @!p1 $0x1082;
	[sflag:s4] =	ssyncset.s32 $0xFFFFF086  }
0x25: {  	[simem:s6], [sflag:s4] =	dma.local [hbm:s3], $0xF7A  }
0x26: {  	[smem:$0x3F9A] =	sst s1;
	(tag) =	ssettag s2;
	_ =	strace s9  }
0x27: {  	s1 =	sld [smem:$0x3FAA]  }
0x28: {  	s2 =	sld [smem:$0x3FAB]  }
0x29: {  	s4 =	sld [smem:$0x3FAD]  }
0x2a: {  	p0 =	seq.s32 s5, $0x0;
	s5 =	sld [smem:$0x3FAE]  }
0x2b: {  	s6 =	sld [smem:$0x3FAF]  }
0x2c: {  	s7 =	sld [smem:$0x3FB0]  }
0x2d: {  	s3 =	simm.s32 $0x108;
	s8 =	sld [smem:$0x3FB1]  }
0x2e: {  	s3 =	simm.s32 @!p0 $0x1082;
	s9 =	sld [smem:$0x3FB2]  }
0x2f: {  	lr =	sadd.s32 s0, s3;
	s0 =	sld [smem:$0x3FA9]  }
0x30: {  	s3 =	sld [smem:$0x3FAC]  }
0x31: {  	[smem:$0x3FB5] =	sst s10  }
0x32: {  	s10 =	sld [smem:$0x3FB3];
	_ =	sdelay $0x3  }
0x33: {  	p0 =	seq.s32 s10, $0x1;
	s10 =	sld [smem:$0x3FB5];
	_ =	sdelay $0x3  }
0x34: {  	[smem:$0x3FB5] =	sst s10  }
0x35: {  	s10 =	sld [smem:$0x3FB4];
	_ =	sdelay $0x3  }
0x36: {  	p1 =	seq.s32 s10, $0x1;
	s10 =	sld [smem:$0x3FB5];
	_ =	sdelay $0x3  }
0x37: {  	[smem:$0x3FB5] =	sst s10  }
0x38: {  	s10 =	sld [smem:$0x3FB6]  }
0x39: {  	_ = 	snop;
	(pc) =	sbr.ind lr, $3  }
0x3a: {  	_ = 	snop  }
0x3b: {  	_ = 	snop  }
0x3c: {  	p2 =	seq.s32 s10, $0x1;
	s10 =	sld [smem:$0x3FB5]  }
0x3d: {  	_ =	shalt  }
0x3e: {  	_ =	shalt  }
0x3f: {  	_ =	shalt  }
0x40: {  	_ =	shalt  }
0x41: {  	_ =	shalt  }
0x42: {  	_ =	shalt  }
0x43: {  	_ =	shalt  }
0x44: {  	_ =	shalt  }
0x45: {  	_ =	shalt  }
0x46: {  	_ =	shalt  }
0x47: {  	_ =	shalt  }
0x48: {  	_ =	shalt  }
0x49: {  	_ =	shalt  }
0x4a: {  	_ =	shalt  }
0x4b: {  	_ =	shalt  }
0x4c: {  	_ =	shalt  }
0x4d: {  	_ =	shalt  }
0x4e: {  	_ =	shalt  }
0x4f: {  	_ =	shalt  }
0x50: {  	_ =	shalt  }
0x51: {  	_ =	shalt  }
0x52: {  	_ =	shalt  }
0x53: {  	_ =	shalt  }
0x54: {  	_ =	shalt  }
0x55: {  	_ =	shalt  }
0x56: {  	_ =	shalt  }
0x57: {  	_ =	shalt  }
0x58: {  	_ =	shalt  }
0x59: {  	_ =	shalt  }
0x5a: {  	_ =	shalt  }
0x5b: {  	_ =	shalt  }
0x5c: {  	_ =	shalt  }
0x5d: {  	_ =	shalt  }
0x5e: {  	_ =	shalt  }
0x5f: {  	_ =	shalt  }
0x60: {  	_ =	shalt  }
0x61: {  	_ =	shalt  }
0x62: {  	_ =	shalt  }
0x63: {  	_ =	shalt  }
0x64: {  	_ =	shalt  }
0x65: {  	_ =	shalt  }
0x66: {  	_ =	shalt  }
0x67: {  	_ =	shalt  }
0x68: {  	_ =	shalt  }
0x69: {  	_ =	shalt  }
0x6a: {  	_ =	shalt  }
0x6b: {  	_ =	shalt  }
0x6c: {  	_ =	shalt  }
0x6d: {  	_ =	shalt  }
0x6e: {  	_ =	shalt  }
0x6f: {  	_ =	shalt  }
0x70: {  	_ =	shalt  }
0x71: {  	_ =	shalt  }
0x72: {  	_ =	shalt  }
0x73: {  	_ =	shalt  }
0x74: {  	_ =	shalt  }
0x75: {  	_ =	shalt  }
0x76: {  	_ =	shalt  }
0x77: {  	_ =	shalt  }
0x78: {  	_ =	shalt  }
0x79: {  	_ =	shalt  }
0x7a: {  	_ =	shalt  }
0x7b: {  	_ =	shalt  }
0x7c: {  	_ =	shalt  }
0x7d: {  	_ =	shalt  }
0x7e: {  	_ =	shalt  }
0x7f: {  	_ =	shalt  }
0x80: {  	_ =	shalt  }
0x81: {  	_ =	shalt  }
0x82: {  	_ =	shalt  }
0x83: {  	_ =	shalt  }
0x84: {  	_ =	shalt  }
0x85: {  	_ =	shalt  }
0x86: {  	_ =	shalt  }
0x87: {  	_ =	shalt  }
.Lfunc_end0:
.L_simem_size_0:
called_computation_lowered:
.L_overlay_start_0:
0x88: {  	s2 =	sld [smem:$0x3FD9]  }
0x89: {  	s3 =	sld [smem:$0x3FFE];
	_ =	sdelay $0x1  }
0x8a: {  	s1 =	srdreg.scid  }
0x8b: {  	s0 =	sand.u32 $0x1, s1  }
0x8c: {  	s16 =	sshll.u32 s0, $0xA;
	s2 =	sadd.s32 s3, s2  }
0x8d: {  	s2 =	sadd.s32 s2, s16  }
0x8e: {  	[smem:$0x3FC1] =	sst s2  }
0x8f: {  	_ = 	snop  }
0x90: {  	(tm) =	ssettm $0x1  }
0x91: {  	s17 =	sld [smem:$0x3FFB];
	_ =	sdelay $0x3  }
0x92: {  	_ =	strace s17  }
0x93: {  	s2 =	sld [smem:$0x3FFC];
	_ =	sdelay $0x3  }
0x94: {  	_ =	strace s2  }
0x95: {  	s2 =	sld [smem:$0x3FFD];
	_ =	sdelay $0x3  }
0x96: {  	_ =	strace s2  }
0x97: {  	_ =	strace $0x8FFFFFFF  }
0x98: {  	s18 =	sld [smem:$0x3FDB];
	_ =	sdelay $0x1  }
0x99: {  	s19 =	simm.s32 $_scs_section_size  }
0x9a: {  	s4 =	simm.s32 $_size__tile_overlayer_lowered;
	s5 =	simm.s32 $_tile_overlayer_lowered  }
0x9b: {  	s22 =	simm.s32 $0x1BFF;
	s21 =	sshll.u32 s5, $0x1;
	s2 =	sadd.s32 s19, s18  }
0x9c: {  	s6 =	simm.s32 $0x0;
	s20 =	sshll.u32 s4, $0x1;
	s4 =	sadd.s32 s21, s2  }
0x9d: {  	[timem:s6], [sflag:s22] =	dma.local [hbm:s4], s20  }
0x9e: {  	_ =	swait.ge [sflag:s22], s20  }
0x9f: {  	s3 =	ssub.s32 $0x0, s20;
	[sflag:s22] =	ssyncset.done $0x0  }
0xa0: {  	[sflag:s22] =	ssyncadd.s32 s3;
	_ =	sdelay $0x1  }
0xa1: {  	s23 =	simm.s32 $0x1B8B  }
0xa2: {  	_ =	swait.ge [sflag:s23], $0x1  }
0xa3: {  	[sflag:s23] =	ssyncset.done $0x0  }
0xa4: {  	s25 =	simm.s32 $0x1B8E;
	s24 =	sld [smem:$0x3FFE];
	[sflag:s23] =	ssyncadd.s32 $0xFFFFFFFF  }
0xa5: {  	s26 =	simm.s32 $execute0_lowered;
	[smem:$0x3FD2] =	sst s25  }
0xa6: {  	s4 =	sshll.u32 s26, $0x1;
	_ =	strace $0x80000046;
	[dreg:$0x1] =	wrdreg $0xFFFFFFFF  }
0xa7: {  	s28 =	simm.s32 $_size_execute0_lowered;
	s2 =	sadd.s32 s2, s4;
	[dreg:$0x0] =	wrdreg $0x0  }
0xa8: {  	s4 =	sshll.u32 s28, $0x1;
	[dreg:$0x2] =	wrdreg s2  }
0xa9: {  	[dreg:$0x3] =	wrdreg s4  }
0xaa: {  	[dreg:$0x4] =	wrdreg $0xC0  }
0xab: {  	_ =	task [dreg:s6], $0x5FFFF  }
0xac: {  	[dreg:$0x1] =	wrdreg $0xFFFFFFFF  }
0xad: {  	[dreg:$0x0] =	wrdreg $0x60  }
0xae: {  	[dreg:$0x2] =	wrdreg s24  }
0xaf: {  	[dreg:$0x3] =	wrdreg $0x9  }
0xb0: {  	_ =	task.clear_ibuf [dreg:s6], $0x4FFFF;
	_ =	strace $0x90000046  }
0xb1: {  	s29 =	simm.s32 $0x9;
	_ =	strace $0x80000048  }
0xb2: {  	_ =	swait.ge [sflag:s29], $0x1  }
0xb3: {  	[sflag:s29] =	ssyncadd.s32 $0xFFFFFFFF  }
0xb4: {  	_ =	strace $0x90000048  }
0xb5: {  	_ =	sfence  }
0xb6: {  	s30 =	sld [smem:$0x0];
	_ =	sdelay $0x2  }
0xb7: {  	s31 =	sshll.u32 s1, $0xD;
	s1 =	sshrl.u32 s1, $0x2  }
0xb8: {  	s3 =	sand.u32 $0x4000, s31;
	s1 =	sadd.s32 s1, s30  }
0xb9: {  	s0 =	sor.u32 s3, s0;
	s1 =	sshll.u32 s1, $0x11  }
0xba: {  	s0 =	sor.u32 s1, s0  }
0xbb: {  	s0 =	sadd.s32 $0x8F2B, s0  }
0xbc: {  	[sflag:s0] =	ssyncadd.remote.s32 $0x1  }
0xbd: {  	_ =	sfence.sel $0xFFFF  }
0xbe: {  	[dreg:$0x0] =	wrdreg $0xFFFFFFFF;
	(pc) =	sbr.abs _section_cstart, $3  }
0xbf: {  	[dreg:$0x1] =	wrdreg $0xFFFFFFFF  }
0xc0: {  	_ =	task.clear_ibuf [dreg:s6], $0x2FFFF;
	_ =	strace $0x9FFFFFFF  }
0xc1: {  	(tm) =	ssettm $0x7FFFFFFF  }
tec
execute0_lowered:
.L_overlay_start_1:
0x0: {  	(tag) =	ssettag $0x1  }
0x1: {  	s1 =	srdreg.scid;
	s0 =	stileid.u32  }
0x2: {  	s13 =	sand.u32 $0x1, s1;
	s3 =	sshll.u32 s0, $0x1  }
0x3: {  	s7 =	sor.u32 s13, s3  }
0x4: {  	s6 =	rddreg [dreg:$0x0];
	s2 =	simm.s32 $0x0;
	s4 =	smul.u32 $0x1C0, s7  }
0x5: {  	s5 =	simm.s32 $0x2;
	s8 =	simm.s32 $0x1;
	[smem:$0x7FF] =	sst s2  }
0x6: {  	s10 =	sadd.s32 $0xF4BA00, s6;
	s15 =	sadd.s32 $0x102BA00, s6;
	s4 =	sadd.s32 s4, s6  }
0x7: {  	s1 =	rddreg [dreg:$0x1];
	_ =	strace $0x80000047;
	s4 =	sadd.s32 $0xF48200, s4  }
0x8: {  	[tilespmem:s2], [sflag:$0x2] =	stream.linear.gather [hbm4b:s4+s2], $0xE00, $0x38;
	[tilespmem:$0x1CE00] =	vst v63  }
0x9: {  	s3 =	sadd.s32 $0x5E00, s6;
	s14 =	smul.u32 $0x70000, s7;
	_ =	swait.ge [sflag:s5], $0xE00  }
0xa: {  	s9 =	smul.u32 $0xE000, s7;
	s7 =	simm.s32 $0xE00;
	[sflag:s5] =	ssyncset.done $0x0  }
0xb: {  	s11 =	sadd.s32 $0xFF900000, s14;
	s6 =	simm.s32 $0x380;
	[sflag:s5] =	ssyncadd.s32 $0xFFFFF200  }
0xc: {  	[tilespmem:s7], [sflag:$0x1] =	stream.indirect.gather [hbm4b:s3+s6], $0x80, s2, s6, $0xb8;
	[tilespmem:$0x1CE00] =	vst v63  }
0xd: {  	p0 =	sgt.u32 s0, $0x7;
	s11 =	sshrl.u32 s11, $0x3;
	_ =	swait.ge [sflag:s8], $0x1C000  }
0xe: {  	s9 =	sadd.s32 s10, s9;
	s11 =	sadd.s32 s15, s11;
	[sflag:s8] =	ssyncset.done $0x0  }
0xf: {  	s9 =	smov.u32 @p0 s11;
	[sflag:s8] =	ssyncadd.s32 $0xFFFE4000  }
0x10: {  	[hbm4b:s9+s2] =	stream.linear.scatter [tilespmem:s7], [sflag:$0x2], $0x1C000, $0x38;
	[tilespmem:$0x1CE00] =	vst v63  }
0x11: {  	_ =	swait.ge [sflag:s5], $0x1C000  }
0x12: {  	[sflag:s5] =	ssyncset.done $0x0  }
0x13: {  	s26 =	sshrl.u32 s14, $0x3;
	s12 =	sadd.s32 $0xFF91C000, s14;
	[sflag:s5] =	ssyncadd.s32 $0xFFFE4000  }
0x14: {  	[tilespmem:s7], [sflag:$0x1] =	stream.indirect.gather [hbm4b:s3+s6], $0x80, s6, s6, $0xb8;
	[tilespmem:$0x1CE00] =	vst v63  }
0x15: {  	s16 =	sadd.s32 s10, s26;
	s28 =	sshrl.u32 s12, $0x3;
	_ =	swait.ge [sflag:s8], $0x1C000  }
0x16: {  	s10 =	sadd.s32 $0x3800, s16;
	s11 =	sadd.s32 s15, s28;
	[sflag:s8] =	ssyncset.done $0x0  }
0x17: {  	s10 =	smov.u32 @p0 s11;
	[sflag:s8] =	ssyncadd.s32 $0xFFFE4000  }
0x18: {  	[hbm4b:s10+s2] =	stream.linear.scatter [tilespmem:s7], [sflag:$0x2], $0x1C000, $0x38;
	[tilespmem:$0x1CE00] =	vst v63  }
0x19: {  	_ =	swait.ge [sflag:s5], $0x1C000  }
0x1a: {  	s30 =	ssub.s32 $0x2, s13;
	[sflag:s5] =	ssyncset.done $0x0  }
0x1b: {  	s29 =	sadd.s32 $0xFF938000, s14;
	s11 =	simm.s32 $0x700;
	[sflag:s5] =	ssyncadd.s32 $0xFFFE4000  }
0x1c: {  	[tilespmem:s7], [sflag:$0x1] =	stream.indirect.gather [hbm4b:s3+s6], $0x80, s11, s6, $0xb8;
	[tilespmem:$0x1CE00] =	vst v63  }
0x1d: {  	s13 =	simm.s32 $0xA80;
	s17 =	sshrl.u32 s29, $0x3;
	_ =	swait.ge [sflag:s8], $0x1C000  }
0x1e: {  	s12 =	sadd.s32 $0x7000, s16;
	s17 =	sadd.s32 s15, s17;
	[sflag:s8] =	ssyncset.done $0x0  }
0x1f: {  	s14 =	sadd.s32 $0xFF954000, s14;
	s12 =	smov.u32 @p0 s17;
	[sflag:s8] =	ssyncadd.s32 $0xFFFE4000  }
0x20: {  	[hbm4b:s12+s2] =	stream.linear.scatter [tilespmem:s7], [sflag:$0x2], $0x1C000, $0x38;
	[tilespmem:$0x1CE00] =	vst v63  }
0x21: {  	s18 =	sshrl.u32 s30, $0x1;
	s14 =	sshrl.u32 s14, $0x3;
	_ =	swait.ge [sflag:s5], $0x1C000  }
0x22: {  	s17 =	ssub.s32 s30, s18;
	s15 =	sadd.s32 s15, s14;
	[sflag:s5] =	ssyncset.done $0x0  }
0x23: {  	s14 =	sadd.s32 $0xA800, s16;
	s31 =	smax.u32 s17, $0x1;
	[sflag:s5] =	ssyncadd.s32 $0xFFFE4000  }
0x24: {  	[tilespmem:s7], [sflag:$0x1] =	stream.indirect.gather [hbm4b:s3+s6], $0x80, s13, s6, $0xb8;
	[tilespmem:$0x1CE00] =	vst v63  }
0x25: {  	s14 =	smov.u32 @p0 s15;
	p0 =	sne.s32 s31, $0x1;
	_ =	swait.ge [sflag:s8], $0x1C000  }
.Ltmp0:
0x26: {  	[sflag:s8] =	ssyncset.done $0x0;
	(pc) =	sbr.rel @!p0 .LBB2_2-.Ltmp0, $4  }
0x27: {  	[sflag:s8] =	ssyncadd.s32 $0xFFFE4000  }
0x28: {  	[hbm4b:s14+s2] =	stream.linear.scatter [tilespmem:s7], [sflag:$0x2], $0x1C000, $0x38;
	[tilespmem:$0x1CE00] =	vst v63  }
0x29: {  	_ =	swait.ge [sflag:s5], $0x1C000  }
0x2a: {  	s15 =	sadd.s32 $0xFFFFFFFF, s31;
	[sflag:s5] =	ssyncset.done $0x0  }
.LBB2_1:
0x2b: {  	p0 =	sne.s32 s15, $0x1;
	s15 =	sadd.s32 $0xFFFFFFFF, s15;
	[sflag:s5] =	ssyncadd.s32 $0xFFFE4000  }
0x2c: {  	[tilespmem:s2], [sflag:$0x2] =	stream.linear.gather [hbm4b:s4+s2], $0xE00, $0x38;
	[tilespmem:$0x1CE00] =	vst v63  }
0x2d: {  	_ =	swait.ge [sflag:s5], $0xE00  }
0x2e: {  	[sflag:s5] =	ssyncset.done $0x0  }
0x2f: {  	[sflag:s5] =	ssyncadd.s32 $0xFFFFF200  }
0x30: {  	[tilespmem:s7], [sflag:$0x1] =	stream.indirect.gather [hbm4b:s3+s6], $0x80, s2, s6, $0xb8;
	[tilespmem:$0x1CE00] =	vst v63  }
0x31: {  	_ =	swait.ge [sflag:s8], $0x1C000  }
0x32: {  	[sflag:s8] =	ssyncset.done $0x0  }
0x33: {  	[sflag:s8] =	ssyncadd.s32 $0xFFFE4000  }
0x34: {  	[hbm4b:s9+s2] =	stream.linear.scatter [tilespmem:s7], [sflag:$0x2], $0x1C000, $0x38;
	[tilespmem:$0x1CE00] =	vst v63  }
0x35: {  	_ =	swait.ge [sflag:s5], $0x1C000  }
0x36: {  	[sflag:s5] =	ssyncset.done $0x0  }
0x37: {  	[sflag:s5] =	ssyncadd.s32 $0xFFFE4000  }
0x38: {  	[tilespmem:s7], [sflag:$0x1] =	stream.indirect.gather [hbm4b:s3+s6], $0x80, s6, s6, $0xb8;
	[tilespmem:$0x1CE00] =	vst v63  }
0x39: {  	_ =	swait.ge [sflag:s8], $0x1C000  }
0x3a: {  	[sflag:s8] =	ssyncset.done $0x0  }
0x3b: {  	[sflag:s8] =	ssyncadd.s32 $0xFFFE4000  }
0x3c: {  	[hbm4b:s10+s2] =	stream.linear.scatter [tilespmem:s7], [sflag:$0x2], $0x1C000, $0x38;
	[tilespmem:$0x1CE00] =	vst v63  }
0x3d: {  	_ =	swait.ge [sflag:s5], $0x1C000  }
0x3e: {  	[sflag:s5] =	ssyncset.done $0x0  }
0x3f: {  	[sflag:s5] =	ssyncadd.s32 $0xFFFE4000  }
0x40: {  	[tilespmem:s7], [sflag:$0x1] =	stream.indirect.gather [hbm4b:s3+s6], $0x80, s11, s6, $0xb8;
	[tilespmem:$0x1CE00] =	vst v63  }
0x41: {  	_ =	swait.ge [sflag:s8], $0x1C000  }
0x42: {  	[sflag:s8] =	ssyncset.done $0x0  }
0x43: {  	[sflag:s8] =	ssyncadd.s32 $0xFFFE4000  }
0x44: {  	[hbm4b:s12+s2] =	stream.linear.scatter [tilespmem:s7], [sflag:$0x2], $0x1C000, $0x38;
	[tilespmem:$0x1CE00] =	vst v63  }
0x45: {  	_ =	swait.ge [sflag:s5], $0x1C000  }
0x46: {  	[sflag:s5] =	ssyncset.done $0x0  }
0x47: {  	[sflag:s5] =	ssyncadd.s32 $0xFFFE4000  }
0x48: {  	[tilespmem:s7], [sflag:$0x1] =	stream.indirect.gather [hbm4b:s3+s6], $0x80, s13, s6, $0xb8;
	[tilespmem:$0x1CE00] =	vst v63  }
0x49: {  	_ =	swait.ge [sflag:s8], $0x1C000  }
.Ltmp1:
0x4a: {  	[sflag:s8] =	ssyncset.done $0x0;
	(pc) =	sbr.rel @p0 .LBB2_1-.Ltmp1, $4  }
0x4b: {  	[sflag:s8] =	ssyncadd.s32 $0xFFFE4000  }
0x4c: {  	[hbm4b:s14+s2] =	stream.linear.scatter [tilespmem:s7], [sflag:$0x2], $0x1C000, $0x38;
	[tilespmem:$0x1CE00] =	vst v63  }
0x4d: {  	_ =	swait.ge [sflag:s5], $0x1C000  }
0x4e: {  	[sflag:s5] =	ssyncset.done $0x0  }
.LBB2_2:
0x4f: {  	[sflag:s5] =	ssyncadd.s32 $0xFFFE4000  }
0x50: {  	_ =	sfence.sel $0x180000  }
0x51: {  	[bflag:$0x0] =	sbarrier.arrive $0xFFFF  }
0x52: {  	p0 =	sne.s32 s0, $0x0;
	_ =	strace $0x90000047  }
0x53: {  	s0 =	sadd.s32 @!p0 $0x100000, s1;
	[bflag:$0x2] =	sbarrier.arrive $0xFFFF  }
0x54: {  	[sflag:s0] =	ssyncadd.tile.s32 @!p0 $0x1;
	_ =	shalt  }
.Lfunc_end2:
_tile_overlayer_lowered:
.L_overlay_start_2:
0x55: {  	(tag) =	ssettag $0x2  }
0x56: {  	s0 =	rddreg [dreg:$0x0];
	s2 =	stileid.u32  }
0x57: {  	s1 =	rddreg [dreg:$0x1];
	p0 =	sne.s32 s2, $0x0  }
0x58: {  	s3 =	rddreg [dreg:$0x2];
	[bflag:$0x3] =	sbarrier.arrive $0xFFFF;
	s2 =	simm.s32 @!p0 $0x1C02  }
0x59: {  	[timem:s3], [sflag:s2] =	dma.local @!p0 [hbm:s0], s1  }
0x5a: {  	s0 =	simm.s32 @!p0 $0x2  }
0x5b: {  	_ =	swait.ge @!p0 [sflag:s0], s1  }
0x5c: {  	s1 =	ssub.s32 @!p0 $0x0, s1;
	[sflag:s0] =	ssyncset.done @!p0 $0x0  }
0x5d: {  	[sflag:s0] =	ssyncadd.s32 @!p0 s1  }
0x5e: {  	[bflag:$0x3] =	sbarrier.arrive $0xFFFF  }
0x5f: {  	_ =	shalt  }

</sc_bundles>
